<compile_context>
chip_gen: v7x
topology: tpu7x:2x2x1
jax: 0.10.2.dev20260603
libtpu: 0.0.44.dev20260713+nightly
codegen_flags: <defaults>
</compile_context>

<pallas_src>
import functools

import jax
import jax.numpy as jnp
from jax import lax
from jax.experimental import pallas as pl
from jax.experimental.pallas import tpu as pltpu
from jax.experimental.pallas import tpu_sc as plsc

H = 128
B = 16
N = 16384
NB = 2048
VT = 12544


def _last_body(batch_ref, out_ref):
    batch = batch_ref[:, :]
    seg = lax.broadcasted_iota(jnp.int32, (B, N), 0)
    pos = lax.broadcasted_iota(jnp.int32, (B, N), 1)
    masked = jnp.where(batch == seg, pos, -1)
    last = jnp.max(masked, axis=1, keepdims=True)
    out_ref[:, :] = jnp.clip(last, 0, N - 1)


def _vn_body(idx_hbm, x_hbm, out_hbm, idx_v, rows_v, sem):
    cid = lax.axis_index("c")
    sid = lax.axis_index("s")

    @pl.when(jnp.logical_and(cid == 0, sid == 0))
    def _():
        pltpu.sync_copy(idx_hbm, idx_v)
        pltpu.async_copy(x_hbm.at[idx_v], rows_v, sem).wait()
        pltpu.sync_copy(rows_v, out_hbm)


_vn_kernel = functools.partial(
    pl.kernel,
    out_type=jax.ShapeDtypeStruct((B, H), jnp.float32),
    mesh=plsc.VectorSubcoreMesh(core_axis_name="c", subcore_axis_name="s"),
    scratch_types=[
        pltpu.VMEM((B,), jnp.int32),
        pltpu.VMEM((B, H), jnp.float32),
        pltpu.SemaphoreType.DMA,
    ],
)(_vn_body)


def _prep(v_n_ref, batch_ref, nc_ref, x_ref, w1_ref, b1_ref, w2_ref, b2_ref,
          qwt_ref, qb_ref, w3_ref, b3_ref, s_h_ref):
    batch = batch_ref[:, :]
    seg = lax.broadcasted_iota(jnp.int32, (B, N), 0)
    onehot_f = (batch == seg).astype(jnp.float32)
    v_n = v_n_ref[:, :]

    c = (jnp.dot(v_n, w1_ref[:, :], preferred_element_type=jnp.float32)
         + b1_ref[:, :] + b2_ref[:, :])
    qb = qb_ref[0, 0]
    w2 = w2_ref[:, :]
    qwt = qwt_ref[:, :]

    s_g = jnp.zeros((B, H), dtype=jnp.float32)
    for k in range(N // NB):
        sl = pl.ds(k * NB, NB)
        xk = x_ref[sl, :]
        oh_k = onehot_f[:, k * NB:(k + 1) * NB]
        cb_k = lax.dot_general(oh_k, c, (((0,), (0,)), ((), ())),
                               preferred_element_type=jnp.float32)
        pre = jnp.dot(xk, w2, preferred_element_type=jnp.float32) + cb_k
        sg = jax.nn.sigmoid(pre)
        alpha = lax.dot_general(qwt, sg, (((1,), (1,)), ((), ())),
                                preferred_element_type=jnp.float32) + qb
        wk = nc_ref[:, k * NB:(k + 1) * NB] * alpha
        a_k = oh_k * wk
        s_g = s_g + jnp.dot(a_k, xk, preferred_element_type=jnp.float32)

    s_h_ref[:, :] = (
        jnp.dot(v_n, w3_ref[0:H, :], preferred_element_type=jnp.float32)
        + jnp.dot(s_g, w3_ref[H:2 * H, :], preferred_element_type=jnp.float32)
        + b3_ref[:, :])


def _body(v_n_ref, batch_ref, nc_ref, x_ref, w1_ref, b1_ref, w2_ref, b2_ref,
          qwt_ref, qb_ref, w3_ref, b3_ref, tbl_ref, out_ref, s_h_ref):
    @pl.when(pl.program_id(0) == 0)
    def _():
        _prep(v_n_ref, batch_ref, nc_ref, x_ref, w1_ref, b1_ref, w2_ref,
              b2_ref, qwt_ref, qb_ref, w3_ref, b3_ref, s_h_ref)

    out_ref[:, :] = lax.dot_general(
        s_h_ref[:, :], tbl_ref[:, :], (((1,), (1,)), ((), ())),
        preferred_element_type=jnp.float32)


@jax.jit
def kernel(node_embedding, item_embedding_table, batch, num_count,
           W1, b1, W2, b2, qw, qb, W3, b3):
    n, h = node_embedding.shape
    v = item_embedding_table.shape[0]
    batch_row = batch.astype(jnp.int32).reshape(1, n)
    nc_row = num_count.reshape(1, n)

    last_idx = pl.pallas_call(
        _last_body,
        out_shape=jax.ShapeDtypeStruct((B, 1), jnp.int32),
    )(batch_row)
    v_n = _vn_kernel(last_idx.reshape(B), node_embedding)

    const = lambda i: (0, 0)
    grid = (v + VT - 1) // VT
    z = pl.pallas_call(
        _body,
        grid=(grid,),
        in_specs=[
            pl.BlockSpec((B, h), const),
            pl.BlockSpec((1, n), const),
            pl.BlockSpec((1, n), const),
            pl.BlockSpec((n, h), const),
            pl.BlockSpec((h, h), const),
            pl.BlockSpec((1, h), const),
            pl.BlockSpec((h, h), const),
            pl.BlockSpec((1, h), const),
            pl.BlockSpec((1, h), const),
            pl.BlockSpec((1, 1), const),
            pl.BlockSpec((2 * h, h), const),
            pl.BlockSpec((1, h), const),
            pl.BlockSpec((VT, h), lambda i: (i, 0)),
        ],
        out_specs=pl.BlockSpec((B, VT), lambda i: (0, i)),
        out_shape=jax.ShapeDtypeStruct((B, v), jnp.float32),
        scratch_shapes=[pltpu.VMEM((B, h), jnp.float32)],
    )(v_n, batch_row, nc_row, node_embedding,
      W1, b1.reshape(1, h), W2, b2.reshape(1, h),
      qw.reshape(1, h), qb.reshape(1, 1), W3, b3.reshape(1, h),
      item_embedding_table)
    return z

# --- scband reference (transcript-rebuilt; emitter-appended) ---
"""Pipeline reference for scband-embedding2-score-46239617909196 (READ-ONLY COPY).

The authoritative reference and input builder live on the scoring server;
editing this copy changes nothing except your own understanding.
"""

import jax, jax.numpy as jnp
import numpy as np

H = 128
B = 16
N = 16384
V = 100000


def setup_inputs(seed: int = 0) -> dict:
    key = jax.random.key(seed)
    ks = jax.random.split(key, 12)
    node_embedding = jax.random.normal(ks[0], (N, H), dtype=jnp.float32)
    batch = jnp.sort(jax.random.randint(ks[1], (N,), 0, B, dtype=jnp.int64))
    num_count = jax.random.uniform(ks[2], (N,), dtype=jnp.float32)
    item_embedding_table = jax.random.normal(ks[3], (V, H), dtype=jnp.float32) * 0.02
    s = 1.0 / np.sqrt(H)
    W1 = jax.random.uniform(ks[4], (H, H), dtype=jnp.float32, minval=-s, maxval=s)
    b1 = jax.random.uniform(ks[5], (H,), dtype=jnp.float32, minval=-s, maxval=s)
    W2 = jax.random.uniform(ks[6], (H, H), dtype=jnp.float32, minval=-s, maxval=s)
    b2 = jax.random.uniform(ks[7], (H,), dtype=jnp.float32, minval=-s, maxval=s)
    qw = jax.random.uniform(ks[8], (H, 1), dtype=jnp.float32, minval=-s, maxval=s)
    qb = jax.random.uniform(ks[9], (1,), dtype=jnp.float32, minval=-s, maxval=s)
    s3 = 1.0 / np.sqrt(2 * H)
    W3 = jax.random.uniform(ks[10], (2 * H, H), dtype=jnp.float32, minval=-s3, maxval=s3)
    b3 = jax.random.uniform(ks[11], (H,), dtype=jnp.float32, minval=-s3, maxval=s3)
    return {"node_embedding": node_embedding, "item_embedding_table": item_embedding_table,
            "batch": batch, "num_count": num_count,
            "W1": W1, "b1": b1, "W2": W2, "b2": b2, "qw": qw, "qb": qb, "W3": W3, "b3": b3}


def reference(node_embedding, item_embedding_table, batch, num_count,
              W1, b1, W2, b2, qw, qb, W3, b3):
    n = node_embedding.shape[0]
    # index of the last node in each session (batch is sorted segment ids)
    last_idx = jax.ops.segment_max(jnp.arange(n), batch, num_segments=B)
    last_idx = jnp.clip(last_idx, 0, n - 1)
    v_n = node_embedding[last_idx]                 # [B, H]
    v_n_repeat = v_n[batch]                        # [N, H], repeat last node per token
    alpha = jax.nn.sigmoid(v_n_repeat @ W1 + b1 + node_embedding @ W2 + b2) @ qw + qb  # [N, 1]
    s_g_whole = num_count[:, None] * alpha * node_embedding                            # [N, H]
    s_g = jax.ops.segment_sum(s_g_whole, batch, num_segments=B)                        # [B, H]
    s_h = jnp.concatenate([v_n, s_g], axis=1) @ W3 + b3                                # [B, H]
    z_i_hat = s_h @ item_embedding_table.T                                             # [B, V]
    return z_i_hat

if __name__ == "__main__":
    import jax
    _d = setup_inputs()
    print(jax.jit(kernel)(*tuple(_d.values())))

</pallas_src>

<mosaic_0001>
#map = affine_map<(d0, d1) -> (0)>
#map1 = affine_map<(d0, d1) -> (0, 0)>
module attributes {stable_mosaic.version = 14 : i64} {
  func.func @_vn_body(%arg0: i32, %arg1: i32, %arg2: memref<16xi32, #tpu.memory_space<hbm>>, %arg3: memref<16384x128xf32, #tpu.memory_space<hbm>>, %arg4: memref<16x128xf32, #tpu.memory_space<hbm>>, %arg5: memref<16xi32, #tpu.memory_space<vmem>>, %arg6: memref<16x128xf32, #tpu.memory_space<vmem>>, %arg7: memref<!tpu.dma_semaphore, #tpu.memory_space<semaphore_mem>>) attributes {dimension_semantics = [#tpu.dimension_semantics<core_parallel>, #tpu.dimension_semantics<subcore_parallel>], iteration_bounds = array<i64: 2, 16>, scalar_prefetch = 0 : i64, scratch_operands = 3 : i64, tpu.core_type = #tpu.core_type<sc_vector_subcore>, window_params = [{transform_indices = #map}, {transform_indices = #map1}, {transform_indices = #map1}]} {
    %eq3A = arith.constant 0 : i32
    %eq3A_0 = arith.cmpi eq, %arg0, %eq3A : i32
    %eq3A_1 = arith.constant 0 : i32
    %eq3A_2 = arith.cmpi eq, %arg1, %eq3A_1 : i32
    %and3A = arith.andi %eq3A_0, %eq3A_2 : i1
    %convert_element_type3A = arith.extui %and3A : i1 to i32
    %cond3A = arith.constant 0 : i32
    %cond3A_3 = arith.cmpi ne, %convert_element_type3A, %cond3A : i32
    scf.if %cond3A_3 {
      "tpu.region"() ({
        %run_scoped3A = tpu.sem_alloc : memref<!tpu.dma_semaphore, #tpu.memory_space<semaphore_mem>>
        tpu.enqueue_dma source(%arg2 : memref<16xi32, #tpu.memory_space<hbm>>) target(%arg5 : memref<16xi32, #tpu.memory_space<vmem>>) target_semaphore(%run_scoped3A : memref<!tpu.dma_semaphore, #tpu.memory_space<semaphore_mem>>)
        tpu.wait_dma2 semaphore(%run_scoped3A : memref<!tpu.dma_semaphore, #tpu.memory_space<semaphore_mem>>) src(%arg2 : memref<16xi32, #tpu.memory_space<hbm>>) dst(%arg5 : memref<16xi32, #tpu.memory_space<vmem>>)
        tpu.yield
      }) : () -> ()
      %dma_start3A = arith.constant 0 : i32
      %dma_start3A_4 = arith.constant 0 : i32
      %dma_start3A_5 = tpu.memref_slice %arg3[%dma_start3A, %dma_start3A_4] : memref<16384x128xf32, #tpu.memory_space<hbm>> -> memref<16384x128xf32, #tpu.memory_space<hbm>>
      tpu.enqueue_indirect_dma source(%dma_start3A_5 : memref<16384x128xf32, #tpu.memory_space<hbm>>) target(%arg6 : memref<16x128xf32, #tpu.memory_space<vmem>>) offsets(%arg5 : memref<16xi32, #tpu.memory_space<vmem>>) semaphore(%arg7 : memref<!tpu.dma_semaphore, #tpu.memory_space<semaphore_mem>>)
      %dma_wait3A = arith.constant 0 : i32
      %dma_wait3A_6 = arith.constant 0 : i32
      %dma_wait3A_7 = tpu.memref_slice %arg3[%dma_wait3A, %dma_wait3A_6] : memref<16384x128xf32, #tpu.memory_space<hbm>> -> memref<16384x128xf32, #tpu.memory_space<hbm>>
      tpu.wait_indirect_dma semaphore(%arg7 : memref<!tpu.dma_semaphore, #tpu.memory_space<semaphore_mem>>) src(%dma_wait3A_7 : memref<16384x128xf32, #tpu.memory_space<hbm>>) dst(%arg6 : memref<16x128xf32, #tpu.memory_space<vmem>>)
      "tpu.region"() ({
        %run_scoped3A = tpu.sem_alloc : memref<!tpu.dma_semaphore, #tpu.memory_space<semaphore_mem>>
        tpu.enqueue_dma source(%arg6 : memref<16x128xf32, #tpu.memory_space<vmem>>) target(%arg4 : memref<16x128xf32, #tpu.memory_space<hbm>>) target_semaphore(%run_scoped3A : memref<!tpu.dma_semaphore, #tpu.memory_space<semaphore_mem>>)
        tpu.wait_dma2 semaphore(%run_scoped3A : memref<!tpu.dma_semaphore, #tpu.memory_space<semaphore_mem>>) src(%arg6 : memref<16x128xf32, #tpu.memory_space<vmem>>) dst(%arg4 : memref<16x128xf32, #tpu.memory_space<hbm>>)
        tpu.yield
      }) : () -> ()
    } else {
    }
    return
  }
}

module attributes {stable_mosaic.version = 14 : i64} {
  func.func @_body(%arg0: i32, %arg1: memref<16x128xf32, #tpu.memory_space<vmem>>, %arg2: memref<1x16384xi32, #tpu.memory_space<vmem>>, %arg3: memref<1x16384xf32, #tpu.memory_space<vmem>>, %arg4: memref<16384x128xf32, #tpu.memory_space<vmem>>, %arg5: memref<128x128xf32, #tpu.memory_space<vmem>>, %arg6: memref<1x128xf32, #tpu.memory_space<vmem>>, %arg7: memref<128x128xf32, #tpu.memory_space<vmem>>, %arg8: memref<1x128xf32, #tpu.memory_space<vmem>>, %arg9: memref<1x128xf32, #tpu.memory_space<vmem>>, %arg10: memref<1x1xf32, #tpu.memory_space<vmem>>, %arg11: memref<256x128xf32, #tpu.memory_space<vmem>>, %arg12: memref<1x128xf32, #tpu.memory_space<vmem>>, %arg13: memref<12544x128xf32, #tpu.memory_space<vmem>>, %arg14: memref<16x12544xf32, #tpu.memory_space<vmem>>, %arg15: memref<16x128xf32, #tpu.memory_space<vmem>>) attributes {dimension_semantics = [#tpu.dimension_semantics<arbitrary>], iteration_bounds = array<i64: 8>, scalar_prefetch = 0 : i64, scratch_operands = 1 : i64, tpu.core_type = #tpu.core_type<tc>, window_params = [{pipeline_mode = #tpu.pipeline_mode<synchronous>, transform_indices = @transform_0, window_bounds = array<i64: 16, 128>}, {pipeline_mode = #tpu.pipeline_mode<synchronous>, transform_indices = @transform_1, window_bounds = array<i64: 1, 16384>}, {pipeline_mode = #tpu.pipeline_mode<synchronous>, transform_indices = @transform_2, window_bounds = array<i64: 1, 16384>}, {pipeline_mode = #tpu.pipeline_mode<synchronous>, transform_indices = @transform_3, window_bounds = array<i64: 16384, 128>}, {pipeline_mode = #tpu.pipeline_mode<synchronous>, transform_indices = @transform_4, window_bounds = array<i64: 128, 128>}, {pipeline_mode = #tpu.pipeline_mode<synchronous>, transform_indices = @transform_5, window_bounds = array<i64: 1, 128>}, {pipeline_mode = #tpu.pipeline_mode<synchronous>, transform_indices = @transform_6, window_bounds = array<i64: 128, 128>}, {pipeline_mode = #tpu.pipeline_mode<synchronous>, transform_indices = @transform_7, window_bounds = array<i64: 1, 128>}, {pipeline_mode = #tpu.pipeline_mode<synchronous>, transform_indices = @transform_8, window_bounds = array<i64: 1, 128>}, {pipeline_mode = #tpu.pipeline_mode<synchronous>, transform_indices = @transform_9, window_bounds = array<i64: 1, 1>}, {pipeline_mode = #tpu.pipeline_mode<synchronous>, transform_indices = @transform_10, window_bounds = array<i64: 256, 128>}, {pipeline_mode = #tpu.pipeline_mode<synchronous>, transform_indices = @transform_11, window_bounds = array<i64: 1, 128>}, {transform_indices = @transform_12, window_bounds = array<i64: 12544, 128>}, {transform_indices = @transform_13, window_bounds = array<i64: 16, 12544>}]} {
    %eq3A = arith.constant 0 : i32
    %eq3A_0 = arith.cmpi eq, %arg0, %eq3A : i32
    %convert_element_type3A = arith.extui %eq3A_0 : i1 to i32
    %cond3A = arith.constant 0 : i32
    %cond3A_1 = arith.cmpi ne, %convert_element_type3A, %cond3A : i32
    scf.if %cond3A_1 {
      %get3A_10 = arith.constant 0 : index
      %get3A_11 = arith.constant 0 : index
      %get3A_12 = vector.load %arg2[%get3A_10, %get3A_11] : memref<1x16384xi32, #tpu.memory_space<vmem>>, vector<1x16384xi32>
      %iota3A = tpu.iota {dimensions = array<i32: 0>} : vector<16x16384xi32>
      %eq3A_13 = vector.broadcast %get3A_12 : vector<1x16384xi32> to vector<16x16384xi32>
      %eq3A_14 = arith.cmpi eq, %eq3A_13, %iota3A : vector<16x16384xi32>
      %convert_element_type3A_15 = arith.extui %eq3A_14 : vector<16x16384xi1> to vector<16x16384xi32>
      %convert_element_type3A_16 = arith.sitofp %convert_element_type3A_15 : vector<16x16384xi32> to vector<16x16384xf32>
      %get3A_17 = arith.constant 0 : index
      %get3A_18 = arith.constant 0 : index
      %get3A_19 = vector.load %arg1[%get3A_17, %get3A_18] : memref<16x128xf32, #tpu.memory_space<vmem>>, vector<16x128xf32>
      %get3A_20 = arith.constant 0 : index
      %get3A_21 = arith.constant 0 : index
      %get3A_22 = vector.load %arg5[%get3A_20, %get3A_21] : memref<128x128xf32, #tpu.memory_space<vmem>>, vector<128x128xf32>
      %dot_general3A_23 = arith.constant dense<0.000000e+00> : vector<16x128xf32>
      %dot_general3A_24 = tpu.matmul %get3A_19, %get3A_22, %dot_general3A_23 {dimension_numbers = #tpu.dot_dimension_numbers<[1], [0], [0], [1], [0, 0, 1, 1], [], []>, transpose_lhs_hint = false} : vector<16x128xf32>, vector<128x128xf32>, vector<16x128xf32> -> vector<16x128xf32>
      %get3A_25 = arith.constant 0 : index
      %get3A_26 = arith.constant 0 : index
      %get3A_27 = vector.load %arg6[%get3A_25, %get3A_26] : memref<1x128xf32, #tpu.memory_space<vmem>>, vector<1x128xf32>
      %add3A = vector.broadcast %get3A_27 : vector<1x128xf32> to vector<16x128xf32>
      %add3A_28 = arith.addf %dot_general3A_24, %add3A : vector<16x128xf32>
      %get3A_29 = arith.constant 0 : index
      %get3A_30 = arith.constant 0 : index
      %get3A_31 = vector.load %arg8[%get3A_29, %get3A_30] : memref<1x128xf32, #tpu.memory_space<vmem>>, vector<1x128xf32>
      %add3A_32 = vector.broadcast %get3A_31 : vector<1x128xf32> to vector<16x128xf32>
      %add3A_33 = arith.addf %add3A_28, %add3A_32 : vector<16x128xf32>
      %get3A_34 = arith.constant 0 : index
      %get3A_35 = arith.constant 0 : index
      %get3A_36 = vector.load %arg10[%get3A_34, %get3A_35] : memref<1x1xf32, #tpu.memory_space<vmem>>, vector<1x1xf32>
      %get3A_37 = vector.extract %get3A_36[0, 0] : f32 from vector<1x1xf32>
      %get3A_38 = arith.constant 0 : index
      %get3A_39 = arith.constant 0 : index
      %get3A_40 = vector.load %arg7[%get3A_38, %get3A_39] : memref<128x128xf32, #tpu.memory_space<vmem>>, vector<128x128xf32>
      %get3A_41 = arith.constant 0 : index
      %get3A_42 = arith.constant 0 : index
      %get3A_43 = vector.load %arg9[%get3A_41, %get3A_42] : memref<1x128xf32, #tpu.memory_space<vmem>>, vector<1x128xf32>
      %broadcast_in_dim3A = arith.constant 0.000000e+00 : f32
      %broadcast_in_dim3A_44 = vector.broadcast %broadcast_in_dim3A : f32 to vector<16x128xf32>
      %get3A_45 = arith.constant 0 : index
      %get3A_46 = arith.constant 0 : index
      %get3A_47 = vector.load %arg4[%get3A_45, %get3A_46] : memref<16384x128xf32, #tpu.memory_space<vmem>>, vector<2048x128xf32>
      %slice3A = vector.extract_strided_slice %convert_element_type3A_16 {offsets = [0, 0], sizes = [16, 2048], strides = [1, 1]} : vector<16x16384xf32> to vector<16x2048xf32>
      %dot_general3A_48 = arith.constant dense<0.000000e+00> : vector<2048x128xf32>
      %dot_general3A_49 = tpu.matmul %slice3A, %add3A_33, %dot_general3A_48 {dimension_numbers = #tpu.dot_dimension_numbers<[0], [0], [1], [1], [0, 1, 1, 1], [], []>, transpose_lhs_hint = false} : vector<16x2048xf32>, vector<16x128xf32>, vector<2048x128xf32> -> vector<2048x128xf32>
      %dot_general3A_50 = arith.constant dense<0.000000e+00> : vector<2048x128xf32>
      %dot_general3A_51 = tpu.matmul %get3A_47, %get3A_40, %dot_general3A_50 {dimension_numbers = #tpu.dot_dimension_numbers<[1], [0], [0], [1], [0, 0, 1, 1], [], []>, transpose_lhs_hint = false} : vector<2048x128xf32>, vector<128x128xf32>, vector<2048x128xf32> -> vector<2048x128xf32>
      %add3A_52 = arith.addf %dot_general3A_51, %dot_general3A_49 : vector<2048x128xf32>
      %logistic3A = arith.negf %add3A_52 : vector<2048x128xf32>
      %logistic3A_53 = math.exp %logistic3A : vector<2048x128xf32>
      %logistic3A_54 = arith.constant 1.000000e+00 : f32
      %logistic3A_55 = vector.broadcast %logistic3A_54 : f32 to vector<2048x128xf32>
      %logistic3A_56 = arith.addf %logistic3A_55, %logistic3A_53 : vector<2048x128xf32>
      %logistic3A_57 = arith.divf %logistic3A_55, %logistic3A_56 : vector<2048x128xf32>
      %dot_general3A_58 = arith.constant dense<0.000000e+00> : vector<1x2048xf32>
      %dot_general3A_59 = tpu.matmul %get3A_43, %logistic3A_57, %dot_general3A_58 {dimension_numbers = #tpu.dot_dimension_numbers<[1], [1], [0], [0], [0, 0, 1, 0], [], []>, transpose_lhs_hint = false} : vector<1x128xf32>, vector<2048x128xf32>, vector<1x2048xf32> -> vector<1x2048xf32>
      %add3A_60 = vector.broadcast %get3A_37 : f32 to vector<1x2048xf32>
      %add3A_61 = arith.addf %dot_general3A_59, %add3A_60 : vector<1x2048xf32>
      %get3A_62 = arith.constant 0 : index
      %get3A_63 = arith.constant 0 : index
      %get3A_64 = vector.load %arg3[%get3A_62, %get3A_63] : memref<1x16384xf32, #tpu.memory_space<vmem>>, vector<1x2048xf32>
      %mul3A = arith.mulf %get3A_64, %add3A_61 : vector<1x2048xf32>
      %mul3A_65 = vector.broadcast %mul3A : vector<1x2048xf32> to vector<16x2048xf32>
      %mul3A_66 = arith.mulf %slice3A, %mul3A_65 : vector<16x2048xf32>
      %dot_general3A_67 = arith.constant dense<0.000000e+00> : vector<16x128xf32>
      %dot_general3A_68 = tpu.matmul %mul3A_66, %get3A_47, %dot_general3A_67 {dimension_numbers = #tpu.dot_dimension_numbers<[1], [0], [0], [1], [0, 0, 1, 1], [], []>, transpose_lhs_hint = false} : vector<16x2048xf32>, vector<2048x128xf32>, vector<16x128xf32> -> vector<16x128xf32>
      %add3A_69 = arith.addf %broadcast_in_dim3A_44, %dot_general3A_68 : vector<16x128xf32>
      %get3A_70 = arith.constant 2048 : index
      %get3A_71 = arith.constant 0 : index
      %get3A_72 = vector.load %arg4[%get3A_70, %get3A_71] : memref<16384x128xf32, #tpu.memory_space<vmem>>, vector<2048x128xf32>
      %slice3A_73 = vector.extract_strided_slice %convert_element_type3A_16 {offsets = [0, 2048], sizes = [16, 2048], strides = [1, 1]} : vector<16x16384xf32> to vector<16x2048xf32>
      %dot_general3A_74 = arith.constant dense<0.000000e+00> : vector<2048x128xf32>
      %dot_general3A_75 = tpu.matmul %slice3A_73, %add3A_33, %dot_general3A_74 {dimension_numbers = #tpu.dot_dimension_numbers<[0], [0], [1], [1], [0, 1, 1, 1], [], []>, transpose_lhs_hint = false} : vector<16x2048xf32>, vector<16x128xf32>, vector<2048x128xf32> -> vector<2048x128xf32>
      %dot_general3A_76 = arith.constant dense<0.000000e+00> : vector<2048x128xf32>
      %dot_general3A_77 = tpu.matmul %get3A_72, %get3A_40, %dot_general3A_76 {dimension_numbers = #tpu.dot_dimension_numbers<[1], [0], [0], [1], [0, 0, 1, 1], [], []>, transpose_lhs_hint = false} : vector<2048x128xf32>, vector<128x128xf32>, vector<2048x128xf32> -> vector<2048x128xf32>
      %add3A_78 = arith.addf %dot_general3A_77, %dot_general3A_75 : vector<2048x128xf32>
      %logistic3A_79 = arith.negf %add3A_78 : vector<2048x128xf32>
      %logistic3A_80 = math.exp %logistic3A_79 : vector<2048x128xf32>
      %logistic3A_81 = arith.constant 1.000000e+00 : f32
      %logistic3A_82 = vector.broadcast %logistic3A_81 : f32 to vector<2048x128xf32>
      %logistic3A_83 = arith.addf %logistic3A_82, %logistic3A_80 : vector<2048x128xf32>
      %logistic3A_84 = arith.divf %logistic3A_82, %logistic3A_83 : vector<2048x128xf32>
      %dot_general3A_85 = arith.constant dense<0.000000e+00> : vector<1x2048xf32>
      %dot_general3A_86 = tpu.matmul %get3A_43, %logistic3A_84, %dot_general3A_85 {dimension_numbers = #tpu.dot_dimension_numbers<[1], [1], [0], [0], [0, 0, 1, 0], [], []>, transpose_lhs_hint = false} : vector<1x128xf32>, vector<2048x128xf32>, vector<1x2048xf32> -> vector<1x2048xf32>
      %add3A_87 = vector.broadcast %get3A_37 : f32 to vector<1x2048xf32>
      %add3A_88 = arith.addf %dot_general3A_86, %add3A_87 : vector<1x2048xf32>
      %get3A_89 = arith.constant 0 : index
      %get3A_90 = arith.constant 2048 : index
      %get3A_91 = vector.load %arg3[%get3A_89, %get3A_90] : memref<1x16384xf32, #tpu.memory_space<vmem>>, vector<1x2048xf32>
      %mul3A_92 = arith.mulf %get3A_91, %add3A_88 : vector<1x2048xf32>
      %mul3A_93 = vector.broadcast %mul3A_92 : vector<1x2048xf32> to vector<16x2048xf32>
      %mul3A_94 = arith.mulf %slice3A_73, %mul3A_93 : vector<16x2048xf32>
      %dot_general3A_95 = arith.constant dense<0.000000e+00> : vector<16x128xf32>
      %dot_general3A_96 = tpu.matmul %mul3A_94, %get3A_72, %dot_general3A_95 {dimension_numbers = #tpu.dot_dimension_numbers<[1], [0], [0], [1], [0, 0, 1, 1], [], []>, transpose_lhs_hint = false} : vector<16x2048xf32>, vector<2048x128xf32>, vector<16x128xf32> -> vector<16x128xf32>
      %add3A_97 = arith.addf %add3A_69, %dot_general3A_96 : vector<16x128xf32>
      %get3A_98 = arith.constant 4096 : index
      %get3A_99 = arith.constant 0 : index
      %get3A_100 = vector.load %arg4[%get3A_98, %get3A_99] : memref<16384x128xf32, #tpu.memory_space<vmem>>, vector<2048x128xf32>
      %slice3A_101 = vector.extract_strided_slice %convert_element_type3A_16 {offsets = [0, 4096], sizes = [16, 2048], strides = [1, 1]} : vector<16x16384xf32> to vector<16x2048xf32>
      %dot_general3A_102 = arith.constant dense<0.000000e+00> : vector<2048x128xf32>
      %dot_general3A_103 = tpu.matmul %slice3A_101, %add3A_33, %dot_general3A_102 {dimension_numbers = #tpu.dot_dimension_numbers<[0], [0], [1], [1], [0, 1, 1, 1], [], []>, transpose_lhs_hint = false} : vector<16x2048xf32>, vector<16x128xf32>, vector<2048x128xf32> -> vector<2048x128xf32>
      %dot_general3A_104 = arith.constant dense<0.000000e+00> : vector<2048x128xf32>
      %dot_general3A_105 = tpu.matmul %get3A_100, %get3A_40, %dot_general3A_104 {dimension_numbers = #tpu.dot_dimension_numbers<[1], [0], [0], [1], [0, 0, 1, 1], [], []>, transpose_lhs_hint = false} : vector<2048x128xf32>, vector<128x128xf32>, vector<2048x128xf32> -> vector<2048x128xf32>
      %add3A_106 = arith.addf %dot_general3A_105, %dot_general3A_103 : vector<2048x128xf32>
      %logistic3A_107 = arith.negf %add3A_106 : vector<2048x128xf32>
      %logistic3A_108 = math.exp %logistic3A_107 : vector<2048x128xf32>
      %logistic3A_109 = arith.constant 1.000000e+00 : f32
      %logistic3A_110 = vector.broadcast %logistic3A_109 : f32 to vector<2048x128xf32>
      %logistic3A_111 = arith.addf %logistic3A_110, %logistic3A_108 : vector<2048x128xf32>
      %logistic3A_112 = arith.divf %logistic3A_110, %logistic3A_111 : vector<2048x128xf32>
      %dot_general3A_113 = arith.constant dense<0.000000e+00> : vector<1x2048xf32>
      %dot_general3A_114 = tpu.matmul %get3A_43, %logistic3A_112, %dot_general3A_113 {dimension_numbers = #tpu.dot_dimension_numbers<[1], [1], [0], [0], [0, 0, 1, 0], [], []>, transpose_lhs_hint = false} : vector<1x128xf32>, vector<2048x128xf32>, vector<1x2048xf32> -> vector<1x2048xf32>
      %add3A_115 = vector.broadcast %get3A_37 : f32 to vector<1x2048xf32>
      %add3A_116 = arith.addf %dot_general3A_114, %add3A_115 : vector<1x2048xf32>
      %get3A_117 = arith.constant 0 : index
      %get3A_118 = arith.constant 4096 : index
      %get3A_119 = vector.load %arg3[%get3A_117, %get3A_118] : memref<1x16384xf32, #tpu.memory_space<vmem>>, vector<1x2048xf32>
      %mul3A_120 = arith.mulf %get3A_119, %add3A_116 : vector<1x2048xf32>
      %mul3A_121 = vector.broadcast %mul3A_120 : vector<1x2048xf32> to vector<16x2048xf32>
      %mul3A_122 = arith.mulf %slice3A_101, %mul3A_121 : vector<16x2048xf32>
      %dot_general3A_123 = arith.constant dense<0.000000e+00> : vector<16x128xf32>
      %dot_general3A_124 = tpu.matmul %mul3A_122, %get3A_100, %dot_general3A_123 {dimension_numbers = #tpu.dot_dimension_numbers<[1], [0], [0], [1], [0, 0, 1, 1], [], []>, transpose_lhs_hint = false} : vector<16x2048xf32>, vector<2048x128xf32>, vector<16x128xf32> -> vector<16x128xf32>
      %add3A_125 = arith.addf %add3A_97, %dot_general3A_124 : vector<16x128xf32>
      %get3A_126 = arith.constant 6144 : index
      %get3A_127 = arith.constant 0 : index
      %get3A_128 = vector.load %arg4[%get3A_126, %get3A_127] : memref<16384x128xf32, #tpu.memory_space<vmem>>, vector<2048x128xf32>
      %slice3A_129 = vector.extract_strided_slice %convert_element_type3A_16 {offsets = [0, 6144], sizes = [16, 2048], strides = [1, 1]} : vector<16x16384xf32> to vector<16x2048xf32>
      %dot_general3A_130 = arith.constant dense<0.000000e+00> : vector<2048x128xf32>
      %dot_general3A_131 = tpu.matmul %slice3A_129, %add3A_33, %dot_general3A_130 {dimension_numbers = #tpu.dot_dimension_numbers<[0], [0], [1], [1], [0, 1, 1, 1], [], []>, transpose_lhs_hint = false} : vector<16x2048xf32>, vector<16x128xf32>, vector<2048x128xf32> -> vector<2048x128xf32>
      %dot_general3A_132 = arith.constant dense<0.000000e+00> : vector<2048x128xf32>
      %dot_general3A_133 = tpu.matmul %get3A_128, %get3A_40, %dot_general3A_132 {dimension_numbers = #tpu.dot_dimension_numbers<[1], [0], [0], [1], [0, 0, 1, 1], [], []>, transpose_lhs_hint = false} : vector<2048x128xf32>, vector<128x128xf32>, vector<2048x128xf32> -> vector<2048x128xf32>
      %add3A_134 = arith.addf %dot_general3A_133, %dot_general3A_131 : vector<2048x128xf32>
      %logistic3A_135 = arith.negf %add3A_134 : vector<2048x128xf32>
      %logistic3A_136 = math.exp %logistic3A_135 : vector<2048x128xf32>
      %logistic3A_137 = arith.constant 1.000000e+00 : f32
      %logistic3A_138 = vector.broadcast %logistic3A_137 : f32 to vector<2048x128xf32>
      %logistic3A_139 = arith.addf %logistic3A_138, %logistic3A_136 : vector<2048x128xf32>
      %logistic3A_140 = arith.divf %logistic3A_138, %logistic3A_139 : vector<2048x128xf32>
      %dot_general3A_141 = arith.constant dense<0.000000e+00> : vector<1x2048xf32>
      %dot_general3A_142 = tpu.matmul %get3A_43, %logistic3A_140, %dot_general3A_141 {dimension_numbers = #tpu.dot_dimension_numbers<[1], [1], [0], [0], [0, 0, 1, 0], [], []>, transpose_lhs_hint = false} : vector<1x128xf32>, vector<2048x128xf32>, vector<1x2048xf32> -> vector<1x2048xf32>
      %add3A_143 = vector.broadcast %get3A_37 : f32 to vector<1x2048xf32>
      %add3A_144 = arith.addf %dot_general3A_142, %add3A_143 : vector<1x2048xf32>
      %get3A_145 = arith.constant 0 : index
      %get3A_146 = arith.constant 6144 : index
      %get3A_147 = vector.load %arg3[%get3A_145, %get3A_146] : memref<1x16384xf32, #tpu.memory_space<vmem>>, vector<1x2048xf32>
      %mul3A_148 = arith.mulf %get3A_147, %add3A_144 : vector<1x2048xf32>
      %mul3A_149 = vector.broadcast %mul3A_148 : vector<1x2048xf32> to vector<16x2048xf32>
      %mul3A_150 = arith.mulf %slice3A_129, %mul3A_149 : vector<16x2048xf32>
      %dot_general3A_151 = arith.constant dense<0.000000e+00> : vector<16x128xf32>
      %dot_general3A_152 = tpu.matmul %mul3A_150, %get3A_128, %dot_general3A_151 {dimension_numbers = #tpu.dot_dimension_numbers<[1], [0], [0], [1], [0, 0, 1, 1], [], []>, transpose_lhs_hint = false} : vector<16x2048xf32>, vector<2048x128xf32>, vector<16x128xf32> -> vector<16x128xf32>
      %add3A_153 = arith.addf %add3A_125, %dot_general3A_152 : vector<16x128xf32>
      %get3A_154 = arith.constant 8192 : index
      %get3A_155 = arith.constant 0 : index
      %get3A_156 = vector.load %arg4[%get3A_154, %get3A_155] : memref<16384x128xf32, #tpu.memory_space<vmem>>, vector<2048x128xf32>
      %slice3A_157 = vector.extract_strided_slice %convert_element_type3A_16 {offsets = [0, 8192], sizes = [16, 2048], strides = [1, 1]} : vector<16x16384xf32> to vector<16x2048xf32>
      %dot_general3A_158 = arith.constant dense<0.000000e+00> : vector<2048x128xf32>
      %dot_general3A_159 = tpu.matmul %slice3A_157, %add3A_33, %dot_general3A_158 {dimension_numbers = #tpu.dot_dimension_numbers<[0], [0], [1], [1], [0, 1, 1, 1], [], []>, transpose_lhs_hint = false} : vector<16x2048xf32>, vector<16x128xf32>, vector<2048x128xf32> -> vector<2048x128xf32>
      %dot_general3A_160 = arith.constant dense<0.000000e+00> : vector<2048x128xf32>
      %dot_general3A_161 = tpu.matmul %get3A_156, %get3A_40, %dot_general3A_160 {dimension_numbers = #tpu.dot_dimension_numbers<[1], [0], [0], [1], [0, 0, 1, 1], [], []>, transpose_lhs_hint = false} : vector<2048x128xf32>, vector<128x128xf32>, vector<2048x128xf32> -> vector<2048x128xf32>
      %add3A_162 = arith.addf %dot_general3A_161, %dot_general3A_159 : vector<2048x128xf32>
      %logistic3A_163 = arith.negf %add3A_162 : vector<2048x128xf32>
      %logistic3A_164 = math.exp %logistic3A_163 : vector<2048x128xf32>
      %logistic3A_165 = arith.constant 1.000000e+00 : f32
      %logistic3A_166 = vector.broadcast %logistic3A_165 : f32 to vector<2048x128xf32>
      %logistic3A_167 = arith.addf %logistic3A_166, %logistic3A_164 : vector<2048x128xf32>
      %logistic3A_168 = arith.divf %logistic3A_166, %logistic3A_167 : vector<2048x128xf32>
      %dot_general3A_169 = arith.constant dense<0.000000e+00> : vector<1x2048xf32>
      %dot_general3A_170 = tpu.matmul %get3A_43, %logistic3A_168, %dot_general3A_169 {dimension_numbers = #tpu.dot_dimension_numbers<[1], [1], [0], [0], [0, 0, 1, 0], [], []>, transpose_lhs_hint = false} : vector<1x128xf32>, vector<2048x128xf32>, vector<1x2048xf32> -> vector<1x2048xf32>
      %add3A_171 = vector.broadcast %get3A_37 : f32 to vector<1x2048xf32>
      %add3A_172 = arith.addf %dot_general3A_170, %add3A_171 : vector<1x2048xf32>
      %get3A_173 = arith.constant 0 : index
      %get3A_174 = arith.constant 8192 : index
      %get3A_175 = vector.load %arg3[%get3A_173, %get3A_174] : memref<1x16384xf32, #tpu.memory_space<vmem>>, vector<1x2048xf32>
      %mul3A_176 = arith.mulf %get3A_175, %add3A_172 : vector<1x2048xf32>
      %mul3A_177 = vector.broadcast %mul3A_176 : vector<1x2048xf32> to vector<16x2048xf32>
      %mul3A_178 = arith.mulf %slice3A_157, %mul3A_177 : vector<16x2048xf32>
      %dot_general3A_179 = arith.constant dense<0.000000e+00> : vector<16x128xf32>
      %dot_general3A_180 = tpu.matmul %mul3A_178, %get3A_156, %dot_general3A_179 {dimension_numbers = #tpu.dot_dimension_numbers<[1], [0], [0], [1], [0, 0, 1, 1], [], []>, transpose_lhs_hint = false} : vector<16x2048xf32>, vector<2048x128xf32>, vector<16x128xf32> -> vector<16x128xf32>
      %add3A_181 = arith.addf %add3A_153, %dot_general3A_180 : vector<16x128xf32>
      %get3A_182 = arith.constant 10240 : index
      %get3A_183 = arith.constant 0 : index
      %get3A_184 = vector.load %arg4[%get3A_182, %get3A_183] : memref<16384x128xf32, #tpu.memory_space<vmem>>, vector<2048x128xf32>
      %slice3A_185 = vector.extract_strided_slice %convert_element_type3A_16 {offsets = [0, 10240], sizes = [16, 2048], strides = [1, 1]} : vector<16x16384xf32> to vector<16x2048xf32>
      %dot_general3A_186 = arith.constant dense<0.000000e+00> : vector<2048x128xf32>
      %dot_general3A_187 = tpu.matmul %slice3A_185, %add3A_33, %dot_general3A_186 {dimension_numbers = #tpu.dot_dimension_numbers<[0], [0], [1], [1], [0, 1, 1, 1], [], []>, transpose_lhs_hint = false} : vector<16x2048xf32>, vector<16x128xf32>, vector<2048x128xf32> -> vector<2048x128xf32>
      %dot_general3A_188 = arith.constant dense<0.000000e+00> : vector<2048x128xf32>
      %dot_general3A_189 = tpu.matmul %get3A_184, %get3A_40, %dot_general3A_188 {dimension_numbers = #tpu.dot_dimension_numbers<[1], [0], [0], [1], [0, 0, 1, 1], [], []>, transpose_lhs_hint = false} : vector<2048x128xf32>, vector<128x128xf32>, vector<2048x128xf32> -> vector<2048x128xf32>
      %add3A_190 = arith.addf %dot_general3A_189, %dot_general3A_187 : vector<2048x128xf32>
      %logistic3A_191 = arith.negf %add3A_190 : vector<2048x128xf32>
      %logistic3A_192 = math.exp %logistic3A_191 : vector<2048x128xf32>
      %logistic3A_193 = arith.constant 1.000000e+00 : f32
      %logistic3A_194 = vector.broadcast %logistic3A_193 : f32 to vector<2048x128xf32>
      %logistic3A_195 = arith.addf %logistic3A_194, %logistic3A_192 : vector<2048x128xf32>
      %logistic3A_196 = arith.divf %logistic3A_194, %logistic3A_195 : vector<2048x128xf32>
      %dot_general3A_197 = arith.constant dense<0.000000e+00> : vector<1x2048xf32>
      %dot_general3A_198 = tpu.matmul %get3A_43, %logistic3A_196, %dot_general3A_197 {dimension_numbers = #tpu.dot_dimension_numbers<[1], [1], [0], [0], [0, 0, 1, 0], [], []>, transpose_lhs_hint = false} : vector<1x128xf32>, vector<2048x128xf32>, vector<1x2048xf32> -> vector<1x2048xf32>
      %add3A_199 = vector.broadcast %get3A_37 : f32 to vector<1x2048xf32>
      %add3A_200 = arith.addf %dot_general3A_198, %add3A_199 : vector<1x2048xf32>
      %get3A_201 = arith.constant 0 : index
      %get3A_202 = arith.constant 10240 : index
      %get3A_203 = vector.load %arg3[%get3A_201, %get3A_202] : memref<1x16384xf32, #tpu.memory_space<vmem>>, vector<1x2048xf32>
      %mul3A_204 = arith.mulf %get3A_203, %add3A_200 : vector<1x2048xf32>
      %mul3A_205 = vector.broadcast %mul3A_204 : vector<1x2048xf32> to vector<16x2048xf32>
      %mul3A_206 = arith.mulf %slice3A_185, %mul3A_205 : vector<16x2048xf32>
      %dot_general3A_207 = arith.constant dense<0.000000e+00> : vector<16x128xf32>
      %dot_general3A_208 = tpu.matmul %mul3A_206, %get3A_184, %dot_general3A_207 {dimension_numbers = #tpu.dot_dimension_numbers<[1], [0], [0], [1], [0, 0, 1, 1], [], []>, transpose_lhs_hint = false} : vector<16x2048xf32>, vector<2048x128xf32>, vector<16x128xf32> -> vector<16x128xf32>
      %add3A_209 = arith.addf %add3A_181, %dot_general3A_208 : vector<16x128xf32>
      %get3A_210 = arith.constant 12288 : index
      %get3A_211 = arith.constant 0 : index
      %get3A_212 = vector.load %arg4[%get3A_210, %get3A_211] : memref<16384x128xf32, #tpu.memory_space<vmem>>, vector<2048x128xf32>
      %slice3A_213 = vector.extract_strided_slice %convert_element_type3A_16 {offsets = [0, 12288], sizes = [16, 2048], strides = [1, 1]} : vector<16x16384xf32> to vector<16x2048xf32>
      %dot_general3A_214 = arith.constant dense<0.000000e+00> : vector<2048x128xf32>
      %dot_general3A_215 = tpu.matmul %slice3A_213, %add3A_33, %dot_general3A_214 {dimension_numbers = #tpu.dot_dimension_numbers<[0], [0], [1], [1], [0, 1, 1, 1], [], []>, transpose_lhs_hint = false} : vector<16x2048xf32>, vector<16x128xf32>, vector<2048x128xf32> -> vector<2048x128xf32>
      %dot_general3A_216 = arith.constant dense<0.000000e+00> : vector<2048x128xf32>
      %dot_general3A_217 = tpu.matmul %get3A_212, %get3A_40, %dot_general3A_216 {dimension_numbers = #tpu.dot_dimension_numbers<[1], [0], [0], [1], [0, 0, 1, 1], [], []>, transpose_lhs_hint = false} : vector<2048x128xf32>, vector<128x128xf32>, vector<2048x128xf32> -> vector<2048x128xf32>
      %add3A_218 = arith.addf %dot_general3A_217, %dot_general3A_215 : vector<2048x128xf32>
      %logistic3A_219 = arith.negf %add3A_218 : vector<2048x128xf32>
      %logistic3A_220 = math.exp %logistic3A_219 : vector<2048x128xf32>
      %logistic3A_221 = arith.constant 1.000000e+00 : f32
      %logistic3A_222 = vector.broadcast %logistic3A_221 : f32 to vector<2048x128xf32>
      %logistic3A_223 = arith.addf %logistic3A_222, %logistic3A_220 : vector<2048x128xf32>
      %logistic3A_224 = arith.divf %logistic3A_222, %logistic3A_223 : vector<2048x128xf32>
      %dot_general3A_225 = arith.constant dense<0.000000e+00> : vector<1x2048xf32>
      %dot_general3A_226 = tpu.matmul %get3A_43, %logistic3A_224, %dot_general3A_225 {dimension_numbers = #tpu.dot_dimension_numbers<[1], [1], [0], [0], [0, 0, 1, 0], [], []>, transpose_lhs_hint = false} : vector<1x128xf32>, vector<2048x128xf32>, vector<1x2048xf32> -> vector<1x2048xf32>
      %add3A_227 = vector.broadcast %get3A_37 : f32 to vector<1x2048xf32>
      %add3A_228 = arith.addf %dot_general3A_226, %add3A_227 : vector<1x2048xf32>
      %get3A_229 = arith.constant 0 : index
      %get3A_230 = arith.constant 12288 : index
      %get3A_231 = vector.load %arg3[%get3A_229, %get3A_230] : memref<1x16384xf32, #tpu.memory_space<vmem>>, vector<1x2048xf32>
      %mul3A_232 = arith.mulf %get3A_231, %add3A_228 : vector<1x2048xf32>
      %mul3A_233 = vector.broadcast %mul3A_232 : vector<1x2048xf32> to vector<16x2048xf32>
      %mul3A_234 = arith.mulf %slice3A_213, %mul3A_233 : vector<16x2048xf32>
      %dot_general3A_235 = arith.constant dense<0.000000e+00> : vector<16x128xf32>
      %dot_general3A_236 = tpu.matmul %mul3A_234, %get3A_212, %dot_general3A_235 {dimension_numbers = #tpu.dot_dimension_numbers<[1], [0], [0], [1], [0, 0, 1, 1], [], []>, transpose_lhs_hint = false} : vector<16x2048xf32>, vector<2048x128xf32>, vector<16x128xf32> -> vector<16x128xf32>
      %add3A_237 = arith.addf %add3A_209, %dot_general3A_236 : vector<16x128xf32>
      %get3A_238 = arith.constant 14336 : index
      %get3A_239 = arith.constant 0 : index
      %get3A_240 = vector.load %arg4[%get3A_238, %get3A_239] : memref<16384x128xf32, #tpu.memory_space<vmem>>, vector<2048x128xf32>
      %slice3A_241 = vector.extract_strided_slice %convert_element_type3A_16 {offsets = [0, 14336], sizes = [16, 2048], strides = [1, 1]} : vector<16x16384xf32> to vector<16x2048xf32>
      %dot_general3A_242 = arith.constant dense<0.000000e+00> : vector<2048x128xf32>
      %dot_general3A_243 = tpu.matmul %slice3A_241, %add3A_33, %dot_general3A_242 {dimension_numbers = #tpu.dot_dimension_numbers<[0], [0], [1], [1], [0, 1, 1, 1], [], []>, transpose_lhs_hint = false} : vector<16x2048xf32>, vector<16x128xf32>, vector<2048x128xf32> -> vector<2048x128xf32>
      %dot_general3A_244 = arith.constant dense<0.000000e+00> : vector<2048x128xf32>
      %dot_general3A_245 = tpu.matmul %get3A_240, %get3A_40, %dot_general3A_244 {dimension_numbers = #tpu.dot_dimension_numbers<[1], [0], [0], [1], [0, 0, 1, 1], [], []>, transpose_lhs_hint = false} : vector<2048x128xf32>, vector<128x128xf32>, vector<2048x128xf32> -> vector<2048x128xf32>
      %add3A_246 = arith.addf %dot_general3A_245, %dot_general3A_243 : vector<2048x128xf32>
      %logistic3A_247 = arith.negf %add3A_246 : vector<2048x128xf32>
      %logistic3A_248 = math.exp %logistic3A_247 : vector<2048x128xf32>
      %logistic3A_249 = arith.constant 1.000000e+00 : f32
      %logistic3A_250 = vector.broadcast %logistic3A_249 : f32 to vector<2048x128xf32>
      %logistic3A_251 = arith.addf %logistic3A_250, %logistic3A_248 : vector<2048x128xf32>
      %logistic3A_252 = arith.divf %logistic3A_250, %logistic3A_251 : vector<2048x128xf32>
      %dot_general3A_253 = arith.constant dense<0.000000e+00> : vector<1x2048xf32>
      %dot_general3A_254 = tpu.matmul %get3A_43, %logistic3A_252, %dot_general3A_253 {dimension_numbers = #tpu.dot_dimension_numbers<[1], [1], [0], [0], [0, 0, 1, 0], [], []>, transpose_lhs_hint = false} : vector<1x128xf32>, vector<2048x128xf32>, vector<1x2048xf32> -> vector<1x2048xf32>
      %add3A_255 = vector.broadcast %get3A_37 : f32 to vector<1x2048xf32>
      %add3A_256 = arith.addf %dot_general3A_254, %add3A_255 : vector<1x2048xf32>
      %get3A_257 = arith.constant 0 : index
      %get3A_258 = arith.constant 14336 : index
      %get3A_259 = vector.load %arg3[%get3A_257, %get3A_258] : memref<1x16384xf32, #tpu.memory_space<vmem>>, vector<1x2048xf32>
      %mul3A_260 = arith.mulf %get3A_259, %add3A_256 : vector<1x2048xf32>
      %mul3A_261 = vector.broadcast %mul3A_260 : vector<1x2048xf32> to vector<16x2048xf32>
      %mul3A_262 = arith.mulf %slice3A_241, %mul3A_261 : vector<16x2048xf32>
      %dot_general3A_263 = arith.constant dense<0.000000e+00> : vector<16x128xf32>
      %dot_general3A_264 = tpu.matmul %mul3A_262, %get3A_240, %dot_general3A_263 {dimension_numbers = #tpu.dot_dimension_numbers<[1], [0], [0], [1], [0, 0, 1, 1], [], []>, transpose_lhs_hint = false} : vector<16x2048xf32>, vector<2048x128xf32>, vector<16x128xf32> -> vector<16x128xf32>
      %add3A_265 = arith.addf %add3A_237, %dot_general3A_264 : vector<16x128xf32>
      %get3A_266 = arith.constant 0 : index
      %get3A_267 = arith.constant 0 : index
      %get3A_268 = vector.load %arg11[%get3A_266, %get3A_267] : memref<256x128xf32, #tpu.memory_space<vmem>>, vector<128x128xf32>
      %dot_general3A_269 = arith.constant dense<0.000000e+00> : vector<16x128xf32>
      %dot_general3A_270 = tpu.matmul %get3A_19, %get3A_268, %dot_general3A_269 {dimension_numbers = #tpu.dot_dimension_numbers<[1], [0], [0], [1], [0, 0, 1, 1], [], []>, transpose_lhs_hint = false} : vector<16x128xf32>, vector<128x128xf32>, vector<16x128xf32> -> vector<16x128xf32>
      %get3A_271 = arith.constant 128 : index
      %get3A_272 = arith.constant 0 : index
      %get3A_273 = vector.load %arg11[%get3A_271, %get3A_272] : memref<256x128xf32, #tpu.memory_space<vmem>>, vector<128x128xf32>
      %dot_general3A_274 = arith.constant dense<0.000000e+00> : vector<16x128xf32>
      %dot_general3A_275 = tpu.matmul %add3A_265, %get3A_273, %dot_general3A_274 {dimension_numbers = #tpu.dot_dimension_numbers<[1], [0], [0], [1], [0, 0, 1, 1], [], []>, transpose_lhs_hint = false} : vector<16x128xf32>, vector<128x128xf32>, vector<16x128xf32> -> vector<16x128xf32>
      %add3A_276 = arith.addf %dot_general3A_270, %dot_general3A_275 : vector<16x128xf32>
      %get3A_277 = arith.constant 0 : index
      %get3A_278 = arith.constant 0 : index
      %get3A_279 = vector.load %arg12[%get3A_277, %get3A_278] : memref<1x128xf32, #tpu.memory_space<vmem>>, vector<1x128xf32>
      %add3A_280 = vector.broadcast %get3A_279 : vector<1x128xf32> to vector<16x128xf32>
      %add3A_281 = arith.addf %add3A_276, %add3A_280 : vector<16x128xf32>
      %swap3A_282 = arith.constant 0 : index
      %swap3A_283 = arith.constant 0 : index
      %swap3A_284 = vector.load %arg15[%swap3A_282, %swap3A_283] : memref<16x128xf32, #tpu.memory_space<vmem>>, vector<16x128xf32>
      tpu.vector_store %arg15[%swap3A_282, %swap3A_283], %add3A_281 {strides = array<i32>} : memref<16x128xf32, #tpu.memory_space<vmem>>, vector<16x128xf32>,
    } else {
    }
    %get3A = arith.constant 0 : index
    %get3A_2 = arith.constant 0 : index
    %get3A_3 = vector.load %arg15[%get3A, %get3A_2] : memref<16x128xf32, #tpu.memory_space<vmem>>, vector<16x128xf32>
    %get3A_4 = arith.constant 0 : index
    %get3A_5 = arith.constant 0 : index
    %get3A_6 = vector.load %arg13[%get3A_4, %get3A_5] : memref<12544x128xf32, #tpu.memory_space<vmem>>, vector<12544x128xf32>
    %dot_general3A = arith.constant dense<0.000000e+00> : vector<16x12544xf32>
    %dot_general3A_7 = tpu.matmul %get3A_3, %get3A_6, %dot_general3A {dimension_numbers = #tpu.dot_dimension_numbers<[1], [1], [0], [0], [0, 0, 1, 0], [], []>, transpose_lhs_hint = false} : vector<16x128xf32>, vector<12544x128xf32>, vector<16x12544xf32> -> vector<16x12544xf32>
    %swap3A = arith.constant 0 : index
    %swap3A_8 = arith.constant 0 : index
    %swap3A_9 = vector.load %arg14[%swap3A, %swap3A_8] : memref<16x12544xf32, #tpu.memory_space<vmem>>, vector<16x12544xf32>
    tpu.vector_store %arg14[%swap3A, %swap3A_8], %dot_general3A_7 {strides = array<i32>} : memref<16x12544xf32, #tpu.memory_space<vmem>>, vector<16x12544xf32>,
    return
  }
  func.func @transform_0(%arg0: i32) -> (i32, i32) {
    %c0_i32 = arith.constant 0 : i32
    %c0_i32_0 = arith.constant 0 : i32
    %c0_i32_1 = arith.constant 0 : i32
    return %c0_i32, %c0_i32_0 : i32, i32
  }
  func.func @transform_1(%arg0: i32) -> (i32, i32) {
    %c0_i32 = arith.constant 0 : i32
    %c0_i32_0 = arith.constant 0 : i32
    %c0_i32_1 = arith.constant 0 : i32
    return %c0_i32, %c0_i32_0 : i32, i32
  }
  func.func @transform_2(%arg0: i32) -> (i32, i32) {
    %c0_i32 = arith.constant 0 : i32
    %c0_i32_0 = arith.constant 0 : i32
    %c0_i32_1 = arith.constant 0 : i32
    return %c0_i32, %c0_i32_0 : i32, i32
  }
  func.func @transform_3(%arg0: i32) -> (i32, i32) {
    %c0_i32 = arith.constant 0 : i32
    %c0_i32_0 = arith.constant 0 : i32
    %c0_i32_1 = arith.constant 0 : i32
    return %c0_i32, %c0_i32_0 : i32, i32
  }
  func.func @transform_4(%arg0: i32) -> (i32, i32) {
    %c0_i32 = arith.constant 0 : i32
    %c0_i32_0 = arith.constant 0 : i32
    %c0_i32_1 = arith.constant 0 : i32
    return %c0_i32, %c0_i32_0 : i32, i32
  }
  func.func @transform_5(%arg0: i32) -> (i32, i32) {
    %c0_i32 = arith.constant 0 : i32
    %c0_i32_0 = arith.constant 0 : i32
    %c0_i32_1 = arith.constant 0 : i32
    return %c0_i32, %c0_i32_0 : i32, i32
  }
  func.func @transform_6(%arg0: i32) -> (i32, i32) {
    %c0_i32 = arith.constant 0 : i32
    %c0_i32_0 = arith.constant 0 : i32
    %c0_i32_1 = arith.constant 0 : i32
    return %c0_i32, %c0_i32_0 : i32, i32
  }
  func.func @transform_7(%arg0: i32) -> (i32, i32) {
    %c0_i32 = arith.constant 0 : i32
    %c0_i32_0 = arith.constant 0 : i32
    %c0_i32_1 = arith.constant 0 : i32
    return %c0_i32, %c0_i32_0 : i32, i32
  }
  func.func @transform_8(%arg0: i32) -> (i32, i32) {
    %c0_i32 = arith.constant 0 : i32
    %c0_i32_0 = arith.constant 0 : i32
    %c0_i32_1 = arith.constant 0 : i32
    return %c0_i32, %c0_i32_0 : i32, i32
  }
  func.func @transform_9(%arg0: i32) -> (i32, i32) {
    %c0_i32 = arith.constant 0 : i32
    %c0_i32_0 = arith.constant 0 : i32
    %c0_i32_1 = arith.constant 0 : i32
    return %c0_i32, %c0_i32_0 : i32, i32
  }
  func.func @transform_10(%arg0: i32) -> (i32, i32) {
    %c0_i32 = arith.constant 0 : i32
    %c0_i32_0 = arith.constant 0 : i32
    %c0_i32_1 = arith.constant 0 : i32
    return %c0_i32, %c0_i32_0 : i32, i32
  }
  func.func @transform_11(%arg0: i32) -> (i32, i32) {
    %c0_i32 = arith.constant 0 : i32
    %c0_i32_0 = arith.constant 0 : i32
    %c0_i32_1 = arith.constant 0 : i32
    return %c0_i32, %c0_i32_0 : i32, i32
  }
  func.func @transform_12(%arg0: i32) -> (i32, i32) {
    %c0_i32 = arith.constant 0 : i32
    %c0_i32_0 = arith.constant 0 : i32
    return %arg0, %c0_i32 : i32, i32
  }
  func.func @transform_13(%arg0: i32) -> (i32, i32) {
    %c0_i32 = arith.constant 0 : i32
    %c0_i32_0 = arith.constant 0 : i32
    return %c0_i32, %arg0 : i32, i32
  }
}

module attributes {stable_mosaic.version = 14 : i64} {
  func.func @_last_body(%arg0: memref<1x16384xi32, #tpu.memory_space<vmem>>, %arg1: memref<16x1xi32, #tpu.memory_space<vmem>>) attributes {dimension_semantics = [], scalar_prefetch = 0 : i64, scratch_operands = 0 : i64, tpu.core_type = #tpu.core_type<tc>} {
    %get3A = arith.constant 0 : index
    %get3A_0 = arith.constant 0 : index
    %get3A_1 = vector.load %arg0[%get3A, %get3A_0] : memref<1x16384xi32, #tpu.memory_space<vmem>>, vector<1x16384xi32>
    %iota3A = tpu.iota {dimensions = array<i32: 0>} : vector<16x16384xi32>
    %iota3A_2 = tpu.iota {dimensions = array<i32: 1>} : vector<16x16384xi32>
    %eq3A = vector.broadcast %get3A_1 : vector<1x16384xi32> to vector<16x16384xi32>
    %eq3A_3 = arith.cmpi eq, %eq3A, %iota3A : vector<16x16384xi32>
    %jit3A = arith.constant -1 : i32
    %broadcast_in_dim3A = vector.broadcast %jit3A : i32 to vector<16x16384xi32>
    %select_n3A = arith.select %eq3A_3, %iota3A_2, %broadcast_in_dim3A : vector<16x16384xi1>, vector<16x16384xi32>
    %reduce_max3A = arith.constant dense<-2147483648> : vector<16xi32>
    %reduce_max3A_4 = vector.multi_reduction <maxsi>, %select_n3A, %reduce_max3A [1] : vector<16x16384xi32> to vector<16xi32>
    %broadcast_in_dim3A_5 = vector.shape_cast %reduce_max3A_4 : vector<16xi32> to vector<16x1xi32>
    %jit3A_6 = arith.constant 0 : i32
    %jit3A_7 = arith.constant 16383 : i32
    %max3A = vector.broadcast %jit3A_6 : i32 to vector<16x1xi32>
    %max3A_8 = arith.maxsi %max3A, %broadcast_in_dim3A_5 : vector<16x1xi32>
    %min3A = vector.broadcast %jit3A_7 : i32 to vector<16x1xi32>
    %min3A_9 = arith.minsi %min3A, %max3A_8 : vector<16x1xi32>
    %swap3A = arith.constant 0 : index
    %swap3A_10 = arith.constant 0 : index
    %swap3A_11 = vector.load %arg1[%swap3A, %swap3A_10] : memref<16x1xi32, #tpu.memory_space<vmem>>, vector<16x1xi32>
    tpu.vector_store %arg1[%swap3A, %swap3A_10], %min3A_9 {strides = array<i32>} : memref<16x1xi32, #tpu.memory_space<vmem>>, vector<16x1xi32>,
    return
  }
}

</mosaic_0001>

<sc_bundles>
// kernel: kernel.5.cloned.1.call-start
scs
__scs_entry_jumppad:
0x0: {  	(pc) =	sbr.rel $0x88, $3  }
0x1: {  	(tag) =	ssettag $0x0;
	lr =	simm.s32 $0x1  }
0x2: {  	[smem:$0x3F95] =	sst lr;
	_ =	strace $0xD0000000  }
0x3: {  	_ = 	snop  }
0x4: {  	_ = 	snop  }
0x5: {  	_ = 	snop  }
0x6: {  	_ = 	snop  }
0x7: {  	_ = 	snop  }
__scs_overlays_trampoline_lowered:
0x8: {  	[smem:$0x3FA4] =	sst s0  }
0x9: {  	[smem:$0x3FA5] =	sst s1  }
0xa: {  	[smem:$0x3FA6] =	sst s2  }
0xb: {  	[smem:$0x3FA7] =	sst s3  }
0xc: {  	[smem:$0x3FA8] =	sst s4  }
0xd: {  	[smem:$0x3FA9] =	sst s5  }
0xe: {  	[smem:$0x3FAA] =	sst s6  }
0xf: {  	[smem:$0x3FAB] =	sst s7  }
0x10: {  	[smem:$0x3FAC] =	sst s8  }
0x11: {  	[smem:$0x3FAD] =	sst s9;
	s0 =	simm.s32 @!p0 $0x0  }
0x12: {  	s1 =	sld [smem:$0x3F93];
	s0 =	simm.s32 @p0 $0x1  }
0x13: {  	[smem:$0x3FAE] =	sst s0;
	s0 =	simm.s32 @!p1 $0x0  }
0x14: {  	s2 =	sld [smem:$0x3F92];
	s0 =	simm.s32 @p1 $0x1  }
0x15: {  	[smem:$0x3FAF] =	sst s0;
	s0 =	simm.s32 @!p2 $0x0  }
0x16: {  	s3 =	sld [smem:$0x3FDB];
	s0 =	simm.s32 @p2 $0x1  }
0x17: {  	s4 =	simm.s32 $0x1BF5;
	[smem:$0x3FB1] =	sst s0  }
0x18: {  	s0 =	sld [smem:$0x3F94];
	_ =	swait.ge [sflag:s4], $0x0  }
0x19: {  	s7 =	sld [smem:$0x3F95]  }
0x1a: {  	s8 =	sadd.s32 $0xFFFFE003, lr  }
0x1b: {  	s9 =	sadd.s32 $0xFFFFFEF7, lr;
	s5 =	simm.s32 $0xFFFFFFFF;
	p2 =	slt.u32 s8, $0xFFFFF086  }
0x1c: {  	p1 =	slt.u32 s9, $0xF7A;
	s5 =	simm.s32 @!p2 $0x0  }
0x1d: {  	s5 =	simm.s32 @p1 $0x1;
	p0 =	seq.s32 s7, s2  }
0x1e: {  	s7 =	smul.u32 @!p0 $0xF7A, s2;
	p2 =	seq.s32 @!p0 s5, $0x0  }
0x1f: {  	s9 =	smul.u32 $0xF7A, s1;
	s8 =	simm.s32 @!p0 $0x1BF5;
	p2 =	por !p2, p0  }
0x20: {  	[sflag:s8] =	ssyncset.s32 @!p0 $0xFFFFF086;
	s6 =	sadd.s32 @!p0 s3, s7;
	s7 =	simm.s32 @!p0 $0x108  }
0x21: {  	s3 =	sadd.s32 s3, s9;
	s6 =	sadd.s32 @!p0 $0x88, s6;
	s7 =	simm.s32 @p2 $0x1082  }
0x22: {  	[simem:s7], [sflag:s8] =	dma.local @!p0 [hbm:s6], $0xF7A  }
0x23: {  	s9 =	sor.u32 $0xD0000000, s2;
	s6 =	simm.s32 $0x108;
	_ =	swait.ge @!p0 [sflag:s8], $0x0  }
0x24: {  	s3 =	sadd.s32 $0x88, s3;
	s6 =	simm.s32 @!p1 $0x1082;
	[sflag:s4] =	ssyncset.s32 $0xFFFFF086  }
0x25: {  	[simem:s6], [sflag:s4] =	dma.local [hbm:s3], $0xF7A  }
0x26: {  	[smem:$0x3F95] =	sst s1;
	(tag) =	ssettag s2;
	_ =	strace s9  }
0x27: {  	s1 =	sld [smem:$0x3FA5]  }
0x28: {  	s2 =	sld [smem:$0x3FA6]  }
0x29: {  	s4 =	sld [smem:$0x3FA8]  }
0x2a: {  	p0 =	seq.s32 s5, $0x0;
	s5 =	sld [smem:$0x3FA9]  }
0x2b: {  	s6 =	sld [smem:$0x3FAA]  }
0x2c: {  	s7 =	sld [smem:$0x3FAB]  }
0x2d: {  	s3 =	simm.s32 $0x108;
	s8 =	sld [smem:$0x3FAC]  }
0x2e: {  	s3 =	simm.s32 @!p0 $0x1082;
	s9 =	sld [smem:$0x3FAD]  }
0x2f: {  	lr =	sadd.s32 s0, s3;
	s0 =	sld [smem:$0x3FA4]  }
0x30: {  	s3 =	sld [smem:$0x3FA7]  }
0x31: {  	[smem:$0x3FB0] =	sst s10  }
0x32: {  	s10 =	sld [smem:$0x3FAE];
	_ =	sdelay $0x3  }
0x33: {  	p0 =	seq.s32 s10, $0x1;
	s10 =	sld [smem:$0x3FB0];
	_ =	sdelay $0x3  }
0x34: {  	[smem:$0x3FB0] =	sst s10  }
0x35: {  	s10 =	sld [smem:$0x3FAF];
	_ =	sdelay $0x3  }
0x36: {  	p1 =	seq.s32 s10, $0x1;
	s10 =	sld [smem:$0x3FB0];
	_ =	sdelay $0x3  }
0x37: {  	[smem:$0x3FB0] =	sst s10  }
0x38: {  	s10 =	sld [smem:$0x3FB1]  }
0x39: {  	_ = 	snop;
	(pc) =	sbr.ind lr, $3  }
0x3a: {  	_ = 	snop  }
0x3b: {  	_ = 	snop  }
0x3c: {  	p2 =	seq.s32 s10, $0x1;
	s10 =	sld [smem:$0x3FB0]  }
0x3d: {  	_ =	shalt  }
0x3e: {  	_ =	shalt  }
0x3f: {  	_ =	shalt  }
0x40: {  	_ =	shalt  }
0x41: {  	_ =	shalt  }
0x42: {  	_ =	shalt  }
0x43: {  	_ =	shalt  }
0x44: {  	_ =	shalt  }
0x45: {  	_ =	shalt  }
0x46: {  	_ =	shalt  }
0x47: {  	_ =	shalt  }
0x48: {  	_ =	shalt  }
0x49: {  	_ =	shalt  }
0x4a: {  	_ =	shalt  }
0x4b: {  	_ =	shalt  }
0x4c: {  	_ =	shalt  }
0x4d: {  	_ =	shalt  }
0x4e: {  	_ =	shalt  }
0x4f: {  	_ =	shalt  }
0x50: {  	_ =	shalt  }
0x51: {  	_ =	shalt  }
0x52: {  	_ =	shalt  }
0x53: {  	_ =	shalt  }
0x54: {  	_ =	shalt  }
0x55: {  	_ =	shalt  }
0x56: {  	_ =	shalt  }
0x57: {  	_ =	shalt  }
0x58: {  	_ =	shalt  }
0x59: {  	_ =	shalt  }
0x5a: {  	_ =	shalt  }
0x5b: {  	_ =	shalt  }
0x5c: {  	_ =	shalt  }
0x5d: {  	_ =	shalt  }
0x5e: {  	_ =	shalt  }
0x5f: {  	_ =	shalt  }
0x60: {  	_ =	shalt  }
0x61: {  	_ =	shalt  }
0x62: {  	_ =	shalt  }
0x63: {  	_ =	shalt  }
0x64: {  	_ =	shalt  }
0x65: {  	_ =	shalt  }
0x66: {  	_ =	shalt  }
0x67: {  	_ =	shalt  }
0x68: {  	_ =	shalt  }
0x69: {  	_ =	shalt  }
0x6a: {  	_ =	shalt  }
0x6b: {  	_ =	shalt  }
0x6c: {  	_ =	shalt  }
0x6d: {  	_ =	shalt  }
0x6e: {  	_ =	shalt  }
0x6f: {  	_ =	shalt  }
0x70: {  	_ =	shalt  }
0x71: {  	_ =	shalt  }
0x72: {  	_ =	shalt  }
0x73: {  	_ =	shalt  }
0x74: {  	_ =	shalt  }
0x75: {  	_ =	shalt  }
0x76: {  	_ =	shalt  }
0x77: {  	_ =	shalt  }
0x78: {  	_ =	shalt  }
0x79: {  	_ =	shalt  }
0x7a: {  	_ =	shalt  }
0x7b: {  	_ =	shalt  }
0x7c: {  	_ =	shalt  }
0x7d: {  	_ =	shalt  }
0x7e: {  	_ =	shalt  }
0x7f: {  	_ =	shalt  }
0x80: {  	_ =	shalt  }
0x81: {  	_ =	shalt  }
0x82: {  	_ =	shalt  }
0x83: {  	_ =	shalt  }
0x84: {  	_ =	shalt  }
0x85: {  	_ =	shalt  }
0x86: {  	_ =	shalt  }
0x87: {  	_ =	shalt  }
.Lfunc_end0:
.L_simem_size_0:
called_computation_lowered:
.L_overlay_start_0:
0x88: {  	s2 =	sld [smem:$0x3FD9]  }
0x89: {  	s3 =	sld [smem:$0x3FFE];
	_ =	sdelay $0x1  }
0x8a: {  	s1 =	srdreg.scid  }
0x8b: {  	s0 =	sand.u32 $0x1, s1  }
0x8c: {  	s17 =	sshll.u32 s0, $0xA;
	s2 =	sadd.s32 s3, s2  }
0x8d: {  	s2 =	sadd.s32 s2, s17  }
0x8e: {  	[smem:$0x3FBC] =	sst s2  }
0x8f: {  	_ = 	snop  }
0x90: {  	s2 =	sld [smem:$0x3FC9]  }
0x91: {  	s18 =	sld [smem:$0x3FD0];
	(tm) =	ssettm $0x1  }
0x92: {  	s4 =	sld [smem:$0x3FFB];
	_ =	sdelay $0x3  }
0x93: {  	_ =	strace s4  }
0x94: {  	s4 =	sld [smem:$0x3FFC];
	_ =	sdelay $0x3  }
0x95: {  	_ =	strace s4  }
0x96: {  	s4 =	sld [smem:$0x3FFD];
	_ =	sdelay $0x3  }
0x97: {  	_ =	strace s4  }
0x98: {  	_ =	strace $0x8FFFFFFF  }
0x99: {  	s19 =	sld [smem:$0x3FDB];
	_ =	sdelay $0x1  }
0x9a: {  	s5 =	simm.s32 $_scs_section_size  }
0x9b: {  	s6 =	simm.s32 $_size__tile_overlayer_lowered;
	s7 =	simm.s32 $_tile_overlayer_lowered  }
0x9c: {  	s22 =	simm.s32 $0x1BFF;
	s21 =	sshll.u32 s7, $0x1;
	s4 =	sadd.s32 s5, s19  }
0x9d: {  	s8 =	simm.s32 $0x0;
	s20 =	sshll.u32 s6, $0x1;
	s6 =	sadd.s32 s21, s4  }
0x9e: {  	[timem:s8], [sflag:s22] =	dma.local [hbm:s6], s20  }
0x9f: {  	_ =	swait.ge [sflag:s22], s20  }
0xa0: {  	s5 =	ssub.s32 $0x0, s20;
	[sflag:s22] =	ssyncset.done $0x0  }
0xa1: {  	[sflag:s22] =	ssyncadd.s32 s5;
	_ =	sdelay $0x1  }
0xa2: {  	s23 =	simm.s32 $0x1B8B  }
0xa3: {  	_ =	swait.ge [sflag:s23], $0x1  }
0xa4: {  	[sflag:s23] =	ssyncset.done $0x0  }
0xa5: {  	s25 =	simm.s32 $0x1B8E;
	s24 =	sld [smem:$0x3FFE];
	[sflag:s23] =	ssyncadd.s32 $0xFFFFFFFF  }
0xa6: {  	s26 =	simm.s32 $execute0_lowered;
	[smem:$0x3FD2] =	sst s25  }
0xa7: {  	s6 =	sshll.u32 s26, $0x1;
	_ =	strace $0x80000046;
	[dreg:$0x1] =	wrdreg $0xFFFFFFFF  }
0xa8: {  	s28 =	simm.s32 $_size_execute0_lowered;
	s4 =	sadd.s32 s4, s6;
	[dreg:$0x0] =	wrdreg $0x0  }
0xa9: {  	s6 =	sshll.u32 s28, $0x1;
	[dreg:$0x2] =	wrdreg s4  }
0xaa: {  	[dreg:$0x3] =	wrdreg s6  }
0xab: {  	[dreg:$0x4] =	wrdreg $0xC0  }
0xac: {  	_ =	task [dreg:s8], $0x5FFFF  }
0xad: {  	[dreg:$0x1] =	wrdreg $0xFFFFFFFF  }
0xae: {  	[dreg:$0x0] =	wrdreg $0x60  }
0xaf: {  	[dreg:$0x2] =	wrdreg s24  }
0xb0: {  	[dreg:$0x3] =	wrdreg s2  }
0xb1: {  	[dreg:$0x4] =	wrdreg s18  }
0xb2: {  	[dreg:$0x5] =	wrdreg $0x9  }
0xb3: {  	_ =	task.clear_ibuf [dreg:s8], $0x6FFFF;
	_ =	strace $0x90000046  }
0xb4: {  	s29 =	simm.s32 $0x9;
	_ =	strace $0x80000048  }
0xb5: {  	_ =	swait.ge [sflag:s29], $0x1  }
0xb6: {  	[sflag:s29] =	ssyncadd.s32 $0xFFFFFFFF  }
0xb7: {  	_ =	strace $0x90000048  }
0xb8: {  	_ =	sfence  }
0xb9: {  	s30 =	sld [smem:$0x0];
	_ =	sdelay $0x2  }
0xba: {  	s31 =	sshll.u32 s1, $0xD;
	s1 =	sshrl.u32 s1, $0x2  }
0xbb: {  	s3 =	sand.u32 $0x4000, s31;
	s1 =	sadd.s32 s1, s30  }
0xbc: {  	s0 =	sor.u32 s3, s0;
	s1 =	sshll.u32 s1, $0x11  }
0xbd: {  	s0 =	sor.u32 s1, s0  }
0xbe: {  	s0 =	sadd.s32 $0x8F2B, s0  }
0xbf: {  	[sflag:s0] =	ssyncadd.remote.s32 $0x1  }
0xc0: {  	_ =	sfence.sel $0xFFFF  }
0xc1: {  	[dreg:$0x0] =	wrdreg $0xFFFFFFFF;
	(pc) =	sbr.abs _section_cstart, $3  }
0xc2: {  	[dreg:$0x1] =	wrdreg $0xFFFFFFFF  }
0xc3: {  	_ =	task.clear_ibuf [dreg:s8], $0x2FFFF;
	_ =	strace $0x9FFFFFFF  }
0xc4: {  	(tm) =	ssettm $0x7FFFFFFF  }
0xc5: {  	_ =	shalt  }
tec
execute0_lowered:
.L_overlay_start_1:
0x0: {  	(tag) =	ssettag $0x1  }
0x1: {  	s0 =	srdreg.scid  }
0x2: {  	s10 =	sand.u32 $0x1, s0;
	s0 =	stileid.u32  }
0x3: {  	s5 =	sor.u32 s0, s10  }
0x4: {  	p0 =	sne.s32 s5, $0x0  }
.Ltmp0:
0x5: {  	_ = 	snop;
	(pc) =	sbr.rel @p0 .LBB2_4-.Ltmp0, $4  }
0x6: {  	s4 =	rddreg [dreg:$0x0]  }
0x7: {  	s2 =	rddreg [dreg:$0x1]  }
0x8: {  	s3 =	rddreg [dreg:$0x2]  }
0x9: {  	s1 =	rddreg [dreg:$0x3];
	_ =	strace $0x80000047  }
0xa: {  	s4 =	sadd.s32 $0x1800, s4;
	s6 =	simm.s32 $0x0;
	s5 =	simm.s32 $0x2  }
0xb: {  	[tilespmem:s6], [sflag:$0x2] =	stream.linear.gather [hbm4b:s4+s6], $0x80, $0x38;
	[tilespmem:$0x880] =	vst v63  }
0xc: {  	s7 =	simm.s32 $0x10;
	s10 =	ssub.s32 $0x2, s10;
	_ =	swait.ge [sflag:s5], $0x80  }
0xd: {  	s8 =	simm.s32 $0x80;
	s11 =	sshrl.u32 s10, $0x1;
	[sflag:s5] =	ssyncset.done $0x0  }
0xe: {  	s9 =	simm.s32 $0x1;
	s10 =	ssub.s32 s10, s11;
	[sflag:s5] =	ssyncadd.s32 $0xFFFFFF80  }
0xf: {  	[tilespmem:s8], [sflag:$0x1] =	stream.indirect.gather [hbm4b:s2+s7], $0x80, s6, s7, $0xb8;
	[tilespmem:$0x880] =	vst v63  }
0x10: {  	p0 =	sne.s32 s10, $0x1;
	_ =	swait.ge [sflag:s9], $0x800  }
.Ltmp1:
0x11: {  	[sflag:s9] =	ssyncset.done $0x0;
	(pc) =	sbr.rel @!p0 .LBB2_3-.Ltmp1, $4  }
0x12: {  	[sflag:s9] =	ssyncadd.s32 $0xFFFFF800  }
0x13: {  	[hbm4b:s3+s6] =	stream.linear.scatter [tilespmem:s8], [sflag:$0x2], $0x800, $0x38;
	[tilespmem:$0x880] =	vst v63  }
0x14: {  	_ =	swait.ge [sflag:s5], $0x800  }
0x15: {  	s10 =	sadd.s32 $0xFFFFFFFF, s10;
	[sflag:s5] =	ssyncset.done $0x0  }
.LBB2_2:
0x16: {  	p0 =	sne.s32 s10, $0x1;
	s10 =	sadd.s32 $0xFFFFFFFF, s10;
	[sflag:s5] =	ssyncadd.s32 $0xFFFFF800  }
0x17: {  	[tilespmem:s6], [sflag:$0x2] =	stream.linear.gather [hbm4b:s4+s6], $0x80, $0x38;
	[tilespmem:$0x880] =	vst v63  }
0x18: {  	_ =	swait.ge [sflag:s5], $0x80  }
0x19: {  	[sflag:s5] =	ssyncset.done $0x0  }
0x1a: {  	[sflag:s5] =	ssyncadd.s32 $0xFFFFFF80  }
0x1b: {  	[tilespmem:s8], [sflag:$0x1] =	stream.indirect.gather [hbm4b:s2+s7], $0x80, s6, s7, $0xb8;
	[tilespmem:$0x880] =	vst v63  }
0x1c: {  	_ =	swait.ge [sflag:s9], $0x800  }
.Ltmp2:
0x1d: {  	[sflag:s9] =	ssyncset.done $0x0;
	(pc) =	sbr.rel @p0 .LBB2_2-.Ltmp2, $4  }
0x1e: {  	[sflag:s9] =	ssyncadd.s32 $0xFFFFF800  }
0x1f: {  	[hbm4b:s3+s6] =	stream.linear.scatter [tilespmem:s8], [sflag:$0x2], $0x800, $0x38;
	[tilespmem:$0x880] =	vst v63  }
0x20: {  	_ =	swait.ge [sflag:s5], $0x800  }
0x21: {  	[sflag:s5] =	ssyncset.done $0x0  }
.LBB2_3:
0x22: {  	[sflag:s5] =	ssyncadd.s32 $0xFFFFF800  }
.LBB2_4:
0x23: {  	_ =	sfence.sel $0x180000  }
0x24: {  	[bflag:$0x0] =	sbarrier.arrive $0xFFFF  }
0x25: {  	p0 =	sne.s32 s0, $0x0;
	_ =	strace $0x90000047  }
0x26: {  	s0 =	sadd.s32 @!p0 $0x100000, s1;
	[bflag:$0x2] =	sbarrier.arrive $0xFFFF  }
0x27: {  	[sflag:s0] =	ssyncadd.tile.s32 @!p0 $0x1;
	_ =	shalt  }
.Lfunc_end2:
_tile_overlayer_lowered:
.L_overlay_start_2:
0x28: {  	(tag) =	ssettag $0x2  }
0x29: {  	s0 =	rddreg [dreg:$0x0];
	s2 =	stileid.u32  }
0x2a: {  	s1 =	rddreg [dreg:$0x1];
	p0 =	sne.s32 s2, $0x0  }
0x2b: {  	s3 =	rddreg [dreg:$0x2];
	[bflag:$0x3] =	sbarrier.arrive $0xFFFF;
	s2 =	simm.s32 @!p0 $0x1C02  }
0x2c: {  	[timem:s3], [sflag:s2] =	dma.local @!p0 [hbm:s0], s1  }
0x2d: {  	s0 =	simm.s32 @!p0 $0x2  }
0x2e: {  	_ =	swait.ge @!p0 [sflag:s0], s1  }
0x2f: {  	s1 =	ssub.s32 @!p0 $0x0, s1;
	[sflag:s0] =	ssyncset.done @!p0 $0x0  }
0x30: {  	[sflag:s0] =	ssyncadd.s32 @!p0 s1  }
0x31: {  	[bflag:$0x3] =	sbarrier.arrive $0xFFFF  }
0x32: {  	_ =	shalt  }

</sc_bundles>
